<compile_context>
chip_gen: v7x
topology: tpu7x:2x2x1
jax: 0.10.2.dev20260603
libtpu: 0.0.44.dev20260713+nightly
codegen_flags: <defaults>
</compile_context>

<pallas_src>
import jax
import jax.numpy as jnp
from jax.experimental import pallas as pl
from jax.experimental.pallas import tpu as pltpu

_B, _N, _D, _R = 16384, 20, 64, 8
_BS = 256
_TB = _BS * _N
_GB = 16
_NG = _BS // _GB


def _body(u_ref, i_ref, ao_ref, oh_ref, waor_ref, wuir_ref, rp_ref,
          out_ref, c_ref, v_ref):
    @pl.when(pl.program_id(0) == 0)
    def _():
        for r in range(_R):
            wu = wuir_ref[r]
            wa = waor_ref[r]
            c_ref[:, r * 128:(r + 1) * 128] = jax.lax.dot_general(
                wu, wa, (((1,), (1,)), ((), ())),
                preferred_element_type=jnp.float32)
            v_ref[r:r + 1, :] = jnp.sum(
                wa * rp_ref[r:r + 1, :], axis=-1).reshape(1, 2 * _D)

    u = u_ref[:]
    i = i_ref[:]
    g = (jnp.dot(u, c_ref[:_D, :], preferred_element_type=jnp.float32)
         + jnp.dot(i, c_ref[_D:, :], preferred_element_type=jnp.float32))

    parts = []
    for r in range(_R):
        parts.append(
            (g[:, r * 128:(r + 1) * 128] + v_ref[r:r + 1, :])
            .astype(jnp.bfloat16)[None])
    gstack = jnp.concatenate(parts, axis=0)

    gsels = []
    for gi in range(_NG):
        rhs = gstack[:, gi * _GB:(gi + 1) * _GB, :].reshape(_R * _GB, 2 * _D)
        lhs = oh_ref[gi * _GB * _N:(gi + 1) * _GB * _N, :]
        gsels.append(jax.lax.dot_general(
            lhs, rhs, (((1,), (0,)), ((), ())),
            preferred_element_type=jnp.float32))
    gsel = jnp.concatenate(gsels, axis=0)

    out_ref[...] = jnp.sum(ao_ref[:] * gsel, axis=-1)


def kernel(u_emb, i_emb, a_emb, o_emb, s, w_aor, w_uir, r_param):
    ao2 = jnp.concatenate([a_emb, o_emb], axis=-1).reshape(_B * _N, 2 * _D)
    t = jnp.arange(_B * _N, dtype=jnp.int32)
    col = s.reshape(-1) * _GB + (t // _N) % _GB
    ohbd = (col[:, None] == jnp.arange(_R * _GB, dtype=jnp.int32)[None, :]
            ).astype(jnp.bfloat16)

    grid = (_B // _BS,)
    out2 = pl.pallas_call(
        _body,
        grid=grid,
        in_specs=[
            pl.BlockSpec((_BS, _D), lambda i: (i, 0)),
            pl.BlockSpec((_BS, _D), lambda i: (i, 0)),
            pl.BlockSpec((_TB, 2 * _D), lambda i: (i, 0)),
            pl.BlockSpec((_TB, _R * _GB), lambda i: (i, 0)),
            pl.BlockSpec((_R, 2 * _D, _D), lambda i: (0, 0, 0)),
            pl.BlockSpec((_R, 2 * _D, _D), lambda i: (0, 0, 0)),
            pl.BlockSpec((_R, _D), lambda i: (0, 0)),
        ],
        out_specs=pl.BlockSpec((_TB,), lambda i: (i,)),
        out_shape=jax.ShapeDtypeStruct((_B * _N,), jnp.float32),
        scratch_shapes=[
            pltpu.VMEM((2 * _D, _R * 2 * _D), jnp.float32),
            pltpu.VMEM((_R, 2 * _D), jnp.float32),
        ],
    )(u_emb, i_emb, ao2, ohbd, w_aor, w_uir, r_param)
    return out2.reshape(_B, _N)

# --- scband reference (transcript-rebuilt; emitter-appended) ---
"""Pipeline reference for scband-model-68410239090894 (READ-ONLY COPY).

The authoritative reference and input builder live on the scoring server;
editing this copy changes nothing except your own understanding.
"""

import jax, jax.numpy as jnp
import numpy as np

B, N, D1, D2, R, RDIM = 16384, 20, 64, 64, 8, 64


def setup_inputs(seed: int = 0):
    key = jax.random.key(seed)
    ks = jax.random.split(key, 8)
    u_emb = jax.random.normal(ks[0], (B, D2), dtype=jnp.float32)
    i_emb = jax.random.normal(ks[1], (B, D2), dtype=jnp.float32)
    a_emb = jax.random.normal(ks[2], (B, N, D1), dtype=jnp.float32)
    o_emb = jax.random.normal(ks[3], (B, N, D1), dtype=jnp.float32)
    s = jax.random.randint(ks[4], (B, N), 0, R, dtype=jnp.int32)
    # xavier_normal init to match torch
    w_aor = jax.random.normal(ks[5], (R, 2 * D1, RDIM), dtype=jnp.float32) * np.sqrt(2.0 / (2 * D1 + RDIM))
    w_uir = jax.random.normal(ks[6], (R, 2 * D2, RDIM), dtype=jnp.float32) * np.sqrt(2.0 / (2 * D2 + RDIM))
    r_param = jax.random.normal(ks[7], (R, RDIM), dtype=jnp.float32) * np.sqrt(2.0 / (R + RDIM))
    return {"u_emb": u_emb, "i_emb": i_emb, "a_emb": a_emb, "o_emb": o_emb,
            "s": s, "w_aor": w_aor, "w_uir": w_uir, "r_param": r_param}


def reference(u_emb, i_emb, a_emb, o_emb, s, w_aor, w_uir, r_param):
    # ui_in[b] is shared by all n slots of sample b (torch uses repeat_interleave)
    ui_in = jnp.concatenate([u_emb, i_emb], axis=-1)          # [B, 2*D2]
    ao_in = jnp.concatenate([a_emb, o_emb], axis=-1)          # [B, N, 2*D1]
    b, n, d = ao_in.shape
    s = s.reshape(b, n)
    ui_emb = jnp.zeros((b, n, RDIM), dtype=jnp.float32)
    aos_emb = jnp.zeros((b, n, RDIM), dtype=jnp.float32)
    for rr in range(R):
        mask = (s == rr)[..., None]                            # [B, N, 1]
        # torch: ui_emb[mask] = repeat_interleave(ui_in, mask.sum(-1), 0) @ w_uir[r] + r[r]
        ui_r = ui_in @ w_uir[rr] + r_param[rr]                 # [B, RDIM]
        ui_emb = jnp.where(mask, ui_r[:, None, :], ui_emb)
        # torch: aos_emb[mask] = ao_in[mask] @ w_aor[r]
        ao_r = jnp.einsum('bnd,do->bno', ao_in, w_aor[rr])     # [B, N, RDIM]
        aos_emb = jnp.where(mask, ao_r, aos_emb)
    pred = (ui_emb * aos_emb).sum(-1)                          # [B, N]
    return pred

if __name__ == "__main__":
    import jax
    _d = setup_inputs()
    print(jax.jit(kernel)(*tuple(_d.values())))

</pallas_src>

<mosaic_0001>
module attributes {stable_mosaic.version = 14 : i64} {
  func.func @_body(%arg0: i32, %arg1: memref<256x64xf32, #tpu.memory_space<vmem>>, %arg2: memref<256x64xf32, #tpu.memory_space<vmem>>, %arg3: memref<5120x128xf32, #tpu.memory_space<vmem>>, %arg4: memref<5120x128xbf16, #tpu.memory_space<vmem>>, %arg5: memref<8x128x64xf32, #tpu.memory_space<vmem>>, %arg6: memref<8x128x64xf32, #tpu.memory_space<vmem>>, %arg7: memref<8x64xf32, #tpu.memory_space<vmem>>, %arg8: memref<5120xf32, #tpu.memory_space<vmem>>, %arg9: memref<128x1024xf32, #tpu.memory_space<vmem>>, %arg10: memref<8x128xf32, #tpu.memory_space<vmem>>) attributes {dimension_semantics = [#tpu.dimension_semantics<arbitrary>], iteration_bounds = array<i64: 64>, scalar_prefetch = 0 : i64, scratch_operands = 2 : i64, tpu.core_type = #tpu.core_type<tc>, window_params = [{transform_indices = @transform_0, window_bounds = array<i64: 256, 64>}, {transform_indices = @transform_1, window_bounds = array<i64: 256, 64>}, {transform_indices = @transform_2, window_bounds = array<i64: 5120, 128>}, {transform_indices = @transform_3, window_bounds = array<i64: 5120, 128>}, {pipeline_mode = #tpu.pipeline_mode<synchronous>, transform_indices = @transform_4, window_bounds = array<i64: 8, 128, 64>}, {pipeline_mode = #tpu.pipeline_mode<synchronous>, transform_indices = @transform_5, window_bounds = array<i64: 8, 128, 64>}, {pipeline_mode = #tpu.pipeline_mode<synchronous>, transform_indices = @transform_6, window_bounds = array<i64: 8, 64>}, {transform_indices = @transform_7, window_bounds = array<i64: 5120>}]} {
    %eq3A = arith.constant 0 : i32
    %eq3A_0 = arith.cmpi eq, %arg0, %eq3A : i32
    %convert_element_type3A = arith.extui %eq3A_0 : i1 to i32
    %cond3A = arith.constant 0 : i32
    %cond3A_1 = arith.cmpi ne, %convert_element_type3A, %cond3A : i32
    scf.if %cond3A_1 {
      %get3A_195 = arith.constant 0 : index
      %get3A_196 = arith.constant 0 : index
      %get3A_197 = arith.constant 0 : index
      %get3A_198 = vector.load %arg6[%get3A_195, %get3A_196, %get3A_197] : memref<8x128x64xf32, #tpu.memory_space<vmem>>, vector<1x128x64xf32>
      %get3A_199 = vector.shape_cast %get3A_198 : vector<1x128x64xf32> to vector<128x64xf32>
      %get3A_200 = arith.constant 0 : index
      %get3A_201 = arith.constant 0 : index
      %get3A_202 = arith.constant 0 : index
      %get3A_203 = vector.load %arg5[%get3A_200, %get3A_201, %get3A_202] : memref<8x128x64xf32, #tpu.memory_space<vmem>>, vector<1x128x64xf32>
      %get3A_204 = vector.shape_cast %get3A_203 : vector<1x128x64xf32> to vector<128x64xf32>
      %dot_general3A_205 = arith.constant dense<0.000000e+00> : vector<128x128xf32>
      %dot_general3A_206 = tpu.matmul %get3A_199, %get3A_204, %dot_general3A_205 {dimension_numbers = #tpu.dot_dimension_numbers<[1], [1], [0], [0], [0, 0, 1, 0], [], []>, transpose_lhs_hint = false} : vector<128x64xf32>, vector<128x64xf32>, vector<128x128xf32> -> vector<128x128xf32>
      %swap3A_207 = arith.constant 0 : index
      %swap3A_208 = arith.constant 0 : index
      %swap3A_209 = vector.load %arg9[%swap3A_207, %swap3A_208] : memref<128x1024xf32, #tpu.memory_space<vmem>>, vector<128x128xf32>
      tpu.vector_store %arg9[%swap3A_207, %swap3A_208], %dot_general3A_206 {strides = array<i32>} : memref<128x1024xf32, #tpu.memory_space<vmem>>, vector<128x128xf32>,
      %get3A_210 = arith.constant 0 : index
      %get3A_211 = arith.constant 0 : index
      %get3A_212 = vector.load %arg7[%get3A_210, %get3A_211] : memref<8x64xf32, #tpu.memory_space<vmem>>, vector<1x64xf32>
      %mul3A_213 = vector.broadcast %get3A_212 : vector<1x64xf32> to vector<128x64xf32>
      %mul3A_214 = arith.mulf %get3A_204, %mul3A_213 : vector<128x64xf32>
      %reduce_sum3A_215 = arith.constant dense<0.000000e+00> : vector<128xf32>
      %reduce_sum3A_216 = vector.multi_reduction <add>, %mul3A_214, %reduce_sum3A_215 [1] : vector<128x64xf32> to vector<128xf32>
      %reshape3A_217 = vector.shape_cast %reduce_sum3A_216 : vector<128xf32> to vector<1x128xf32>
      %swap3A_218 = arith.constant 0 : index
      %swap3A_219 = arith.constant 0 : index
      %swap3A_220 = vector.load %arg10[%swap3A_218, %swap3A_219] : memref<8x128xf32, #tpu.memory_space<vmem>>, vector<1x128xf32>
      tpu.vector_store %arg10[%swap3A_218, %swap3A_219], %reshape3A_217 {strides = array<i32>} : memref<8x128xf32, #tpu.memory_space<vmem>>, vector<1x128xf32>,
      %get3A_221 = arith.constant 1 : index
      %get3A_222 = arith.constant 0 : index
      %get3A_223 = arith.constant 0 : index
      %get3A_224 = vector.load %arg6[%get3A_221, %get3A_222, %get3A_223] : memref<8x128x64xf32, #tpu.memory_space<vmem>>, vector<1x128x64xf32>
      %get3A_225 = vector.shape_cast %get3A_224 : vector<1x128x64xf32> to vector<128x64xf32>
      %get3A_226 = arith.constant 1 : index
      %get3A_227 = arith.constant 0 : index
      %get3A_228 = arith.constant 0 : index
      %get3A_229 = vector.load %arg5[%get3A_226, %get3A_227, %get3A_228] : memref<8x128x64xf32, #tpu.memory_space<vmem>>, vector<1x128x64xf32>
      %get3A_230 = vector.shape_cast %get3A_229 : vector<1x128x64xf32> to vector<128x64xf32>
      %dot_general3A_231 = arith.constant dense<0.000000e+00> : vector<128x128xf32>
      %dot_general3A_232 = tpu.matmul %get3A_225, %get3A_230, %dot_general3A_231 {dimension_numbers = #tpu.dot_dimension_numbers<[1], [1], [0], [0], [0, 0, 1, 0], [], []>, transpose_lhs_hint = false} : vector<128x64xf32>, vector<128x64xf32>, vector<128x128xf32> -> vector<128x128xf32>
      %swap3A_233 = arith.constant 0 : index
      %swap3A_234 = arith.constant 128 : index
      %swap3A_235 = vector.load %arg9[%swap3A_233, %swap3A_234] : memref<128x1024xf32, #tpu.memory_space<vmem>>, vector<128x128xf32>
      tpu.vector_store %arg9[%swap3A_233, %swap3A_234], %dot_general3A_232 {strides = array<i32>} : memref<128x1024xf32, #tpu.memory_space<vmem>>, vector<128x128xf32>,
      %get3A_236 = arith.constant 1 : index
      %get3A_237 = arith.constant 0 : index
      %get3A_238 = vector.load %arg7[%get3A_236, %get3A_237] : memref<8x64xf32, #tpu.memory_space<vmem>>, vector<1x64xf32>
      %mul3A_239 = vector.broadcast %get3A_238 : vector<1x64xf32> to vector<128x64xf32>
      %mul3A_240 = arith.mulf %get3A_230, %mul3A_239 : vector<128x64xf32>
      %reduce_sum3A_241 = arith.constant dense<0.000000e+00> : vector<128xf32>
      %reduce_sum3A_242 = vector.multi_reduction <add>, %mul3A_240, %reduce_sum3A_241 [1] : vector<128x64xf32> to vector<128xf32>
      %reshape3A_243 = vector.shape_cast %reduce_sum3A_242 : vector<128xf32> to vector<1x128xf32>
      %swap3A_244 = arith.constant 1 : index
      %swap3A_245 = arith.constant 0 : index
      %swap3A_246 = vector.load %arg10[%swap3A_244, %swap3A_245] : memref<8x128xf32, #tpu.memory_space<vmem>>, vector<1x128xf32>
      tpu.vector_store %arg10[%swap3A_244, %swap3A_245], %reshape3A_243 {strides = array<i32>} : memref<8x128xf32, #tpu.memory_space<vmem>>, vector<1x128xf32>,
      %get3A_247 = arith.constant 2 : index
      %get3A_248 = arith.constant 0 : index
      %get3A_249 = arith.constant 0 : index
      %get3A_250 = vector.load %arg6[%get3A_247, %get3A_248, %get3A_249] : memref<8x128x64xf32, #tpu.memory_space<vmem>>, vector<1x128x64xf32>
      %get3A_251 = vector.shape_cast %get3A_250 : vector<1x128x64xf32> to vector<128x64xf32>
      %get3A_252 = arith.constant 2 : index
      %get3A_253 = arith.constant 0 : index
      %get3A_254 = arith.constant 0 : index
      %get3A_255 = vector.load %arg5[%get3A_252, %get3A_253, %get3A_254] : memref<8x128x64xf32, #tpu.memory_space<vmem>>, vector<1x128x64xf32>
      %get3A_256 = vector.shape_cast %get3A_255 : vector<1x128x64xf32> to vector<128x64xf32>
      %dot_general3A_257 = arith.constant dense<0.000000e+00> : vector<128x128xf32>
      %dot_general3A_258 = tpu.matmul %get3A_251, %get3A_256, %dot_general3A_257 {dimension_numbers = #tpu.dot_dimension_numbers<[1], [1], [0], [0], [0, 0, 1, 0], [], []>, transpose_lhs_hint = false} : vector<128x64xf32>, vector<128x64xf32>, vector<128x128xf32> -> vector<128x128xf32>
      %swap3A_259 = arith.constant 0 : index
      %swap3A_260 = arith.constant 256 : index
      %swap3A_261 = vector.load %arg9[%swap3A_259, %swap3A_260] : memref<128x1024xf32, #tpu.memory_space<vmem>>, vector<128x128xf32>
      tpu.vector_store %arg9[%swap3A_259, %swap3A_260], %dot_general3A_258 {strides = array<i32>} : memref<128x1024xf32, #tpu.memory_space<vmem>>, vector<128x128xf32>,
      %get3A_262 = arith.constant 2 : index
      %get3A_263 = arith.constant 0 : index
      %get3A_264 = vector.load %arg7[%get3A_262, %get3A_263] : memref<8x64xf32, #tpu.memory_space<vmem>>, vector<1x64xf32>
      %mul3A_265 = vector.broadcast %get3A_264 : vector<1x64xf32> to vector<128x64xf32>
      %mul3A_266 = arith.mulf %get3A_256, %mul3A_265 : vector<128x64xf32>
      %reduce_sum3A_267 = arith.constant dense<0.000000e+00> : vector<128xf32>
      %reduce_sum3A_268 = vector.multi_reduction <add>, %mul3A_266, %reduce_sum3A_267 [1] : vector<128x64xf32> to vector<128xf32>
      %reshape3A_269 = vector.shape_cast %reduce_sum3A_268 : vector<128xf32> to vector<1x128xf32>
      %swap3A_270 = arith.constant 2 : index
      %swap3A_271 = arith.constant 0 : index
      %swap3A_272 = vector.load %arg10[%swap3A_270, %swap3A_271] : memref<8x128xf32, #tpu.memory_space<vmem>>, vector<1x128xf32>
      tpu.vector_store %arg10[%swap3A_270, %swap3A_271], %reshape3A_269 {strides = array<i32>} : memref<8x128xf32, #tpu.memory_space<vmem>>, vector<1x128xf32>,
      %get3A_273 = arith.constant 3 : index
      %get3A_274 = arith.constant 0 : index
      %get3A_275 = arith.constant 0 : index
      %get3A_276 = vector.load %arg6[%get3A_273, %get3A_274, %get3A_275] : memref<8x128x64xf32, #tpu.memory_space<vmem>>, vector<1x128x64xf32>
      %get3A_277 = vector.shape_cast %get3A_276 : vector<1x128x64xf32> to vector<128x64xf32>
      %get3A_278 = arith.constant 3 : index
      %get3A_279 = arith.constant 0 : index
      %get3A_280 = arith.constant 0 : index
      %get3A_281 = vector.load %arg5[%get3A_278, %get3A_279, %get3A_280] : memref<8x128x64xf32, #tpu.memory_space<vmem>>, vector<1x128x64xf32>
      %get3A_282 = vector.shape_cast %get3A_281 : vector<1x128x64xf32> to vector<128x64xf32>
      %dot_general3A_283 = arith.constant dense<0.000000e+00> : vector<128x128xf32>
      %dot_general3A_284 = tpu.matmul %get3A_277, %get3A_282, %dot_general3A_283 {dimension_numbers = #tpu.dot_dimension_numbers<[1], [1], [0], [0], [0, 0, 1, 0], [], []>, transpose_lhs_hint = false} : vector<128x64xf32>, vector<128x64xf32>, vector<128x128xf32> -> vector<128x128xf32>
      %swap3A_285 = arith.constant 0 : index
      %swap3A_286 = arith.constant 384 : index
      %swap3A_287 = vector.load %arg9[%swap3A_285, %swap3A_286] : memref<128x1024xf32, #tpu.memory_space<vmem>>, vector<128x128xf32>
      tpu.vector_store %arg9[%swap3A_285, %swap3A_286], %dot_general3A_284 {strides = array<i32>} : memref<128x1024xf32, #tpu.memory_space<vmem>>, vector<128x128xf32>,
      %get3A_288 = arith.constant 3 : index
      %get3A_289 = arith.constant 0 : index
      %get3A_290 = vector.load %arg7[%get3A_288, %get3A_289] : memref<8x64xf32, #tpu.memory_space<vmem>>, vector<1x64xf32>
      %mul3A_291 = vector.broadcast %get3A_290 : vector<1x64xf32> to vector<128x64xf32>
      %mul3A_292 = arith.mulf %get3A_282, %mul3A_291 : vector<128x64xf32>
      %reduce_sum3A_293 = arith.constant dense<0.000000e+00> : vector<128xf32>
      %reduce_sum3A_294 = vector.multi_reduction <add>, %mul3A_292, %reduce_sum3A_293 [1] : vector<128x64xf32> to vector<128xf32>
      %reshape3A_295 = vector.shape_cast %reduce_sum3A_294 : vector<128xf32> to vector<1x128xf32>
      %swap3A_296 = arith.constant 3 : index
      %swap3A_297 = arith.constant 0 : index
      %swap3A_298 = vector.load %arg10[%swap3A_296, %swap3A_297] : memref<8x128xf32, #tpu.memory_space<vmem>>, vector<1x128xf32>
      tpu.vector_store %arg10[%swap3A_296, %swap3A_297], %reshape3A_295 {strides = array<i32>} : memref<8x128xf32, #tpu.memory_space<vmem>>, vector<1x128xf32>,
      %get3A_299 = arith.constant 4 : index
      %get3A_300 = arith.constant 0 : index
      %get3A_301 = arith.constant 0 : index
      %get3A_302 = vector.load %arg6[%get3A_299, %get3A_300, %get3A_301] : memref<8x128x64xf32, #tpu.memory_space<vmem>>, vector<1x128x64xf32>
      %get3A_303 = vector.shape_cast %get3A_302 : vector<1x128x64xf32> to vector<128x64xf32>
      %get3A_304 = arith.constant 4 : index
      %get3A_305 = arith.constant 0 : index
      %get3A_306 = arith.constant 0 : index
      %get3A_307 = vector.load %arg5[%get3A_304, %get3A_305, %get3A_306] : memref<8x128x64xf32, #tpu.memory_space<vmem>>, vector<1x128x64xf32>
      %get3A_308 = vector.shape_cast %get3A_307 : vector<1x128x64xf32> to vector<128x64xf32>
      %dot_general3A_309 = arith.constant dense<0.000000e+00> : vector<128x128xf32>
      %dot_general3A_310 = tpu.matmul %get3A_303, %get3A_308, %dot_general3A_309 {dimension_numbers = #tpu.dot_dimension_numbers<[1], [1], [0], [0], [0, 0, 1, 0], [], []>, transpose_lhs_hint = false} : vector<128x64xf32>, vector<128x64xf32>, vector<128x128xf32> -> vector<128x128xf32>
      %swap3A_311 = arith.constant 0 : index
      %swap3A_312 = arith.constant 512 : index
      %swap3A_313 = vector.load %arg9[%swap3A_311, %swap3A_312] : memref<128x1024xf32, #tpu.memory_space<vmem>>, vector<128x128xf32>
      tpu.vector_store %arg9[%swap3A_311, %swap3A_312], %dot_general3A_310 {strides = array<i32>} : memref<128x1024xf32, #tpu.memory_space<vmem>>, vector<128x128xf32>,
      %get3A_314 = arith.constant 4 : index
      %get3A_315 = arith.constant 0 : index
      %get3A_316 = vector.load %arg7[%get3A_314, %get3A_315] : memref<8x64xf32, #tpu.memory_space<vmem>>, vector<1x64xf32>
      %mul3A_317 = vector.broadcast %get3A_316 : vector<1x64xf32> to vector<128x64xf32>
      %mul3A_318 = arith.mulf %get3A_308, %mul3A_317 : vector<128x64xf32>
      %reduce_sum3A_319 = arith.constant dense<0.000000e+00> : vector<128xf32>
      %reduce_sum3A_320 = vector.multi_reduction <add>, %mul3A_318, %reduce_sum3A_319 [1] : vector<128x64xf32> to vector<128xf32>
      %reshape3A_321 = vector.shape_cast %reduce_sum3A_320 : vector<128xf32> to vector<1x128xf32>
      %swap3A_322 = arith.constant 4 : index
      %swap3A_323 = arith.constant 0 : index
      %swap3A_324 = vector.load %arg10[%swap3A_322, %swap3A_323] : memref<8x128xf32, #tpu.memory_space<vmem>>, vector<1x128xf32>
      tpu.vector_store %arg10[%swap3A_322, %swap3A_323], %reshape3A_321 {strides = array<i32>} : memref<8x128xf32, #tpu.memory_space<vmem>>, vector<1x128xf32>,
      %get3A_325 = arith.constant 5 : index
      %get3A_326 = arith.constant 0 : index
      %get3A_327 = arith.constant 0 : index
      %get3A_328 = vector.load %arg6[%get3A_325, %get3A_326, %get3A_327] : memref<8x128x64xf32, #tpu.memory_space<vmem>>, vector<1x128x64xf32>
      %get3A_329 = vector.shape_cast %get3A_328 : vector<1x128x64xf32> to vector<128x64xf32>
      %get3A_330 = arith.constant 5 : index
      %get3A_331 = arith.constant 0 : index
      %get3A_332 = arith.constant 0 : index
      %get3A_333 = vector.load %arg5[%get3A_330, %get3A_331, %get3A_332] : memref<8x128x64xf32, #tpu.memory_space<vmem>>, vector<1x128x64xf32>
      %get3A_334 = vector.shape_cast %get3A_333 : vector<1x128x64xf32> to vector<128x64xf32>
      %dot_general3A_335 = arith.constant dense<0.000000e+00> : vector<128x128xf32>
      %dot_general3A_336 = tpu.matmul %get3A_329, %get3A_334, %dot_general3A_335 {dimension_numbers = #tpu.dot_dimension_numbers<[1], [1], [0], [0], [0, 0, 1, 0], [], []>, transpose_lhs_hint = false} : vector<128x64xf32>, vector<128x64xf32>, vector<128x128xf32> -> vector<128x128xf32>
      %swap3A_337 = arith.constant 0 : index
      %swap3A_338 = arith.constant 640 : index
      %swap3A_339 = vector.load %arg9[%swap3A_337, %swap3A_338] : memref<128x1024xf32, #tpu.memory_space<vmem>>, vector<128x128xf32>
      tpu.vector_store %arg9[%swap3A_337, %swap3A_338], %dot_general3A_336 {strides = array<i32>} : memref<128x1024xf32, #tpu.memory_space<vmem>>, vector<128x128xf32>,
      %get3A_340 = arith.constant 5 : index
      %get3A_341 = arith.constant 0 : index
      %get3A_342 = vector.load %arg7[%get3A_340, %get3A_341] : memref<8x64xf32, #tpu.memory_space<vmem>>, vector<1x64xf32>
      %mul3A_343 = vector.broadcast %get3A_342 : vector<1x64xf32> to vector<128x64xf32>
      %mul3A_344 = arith.mulf %get3A_334, %mul3A_343 : vector<128x64xf32>
      %reduce_sum3A_345 = arith.constant dense<0.000000e+00> : vector<128xf32>
      %reduce_sum3A_346 = vector.multi_reduction <add>, %mul3A_344, %reduce_sum3A_345 [1] : vector<128x64xf32> to vector<128xf32>
      %reshape3A_347 = vector.shape_cast %reduce_sum3A_346 : vector<128xf32> to vector<1x128xf32>
      %swap3A_348 = arith.constant 5 : index
      %swap3A_349 = arith.constant 0 : index
      %swap3A_350 = vector.load %arg10[%swap3A_348, %swap3A_349] : memref<8x128xf32, #tpu.memory_space<vmem>>, vector<1x128xf32>
      tpu.vector_store %arg10[%swap3A_348, %swap3A_349], %reshape3A_347 {strides = array<i32>} : memref<8x128xf32, #tpu.memory_space<vmem>>, vector<1x128xf32>,
      %get3A_351 = arith.constant 6 : index
      %get3A_352 = arith.constant 0 : index
      %get3A_353 = arith.constant 0 : index
      %get3A_354 = vector.load %arg6[%get3A_351, %get3A_352, %get3A_353] : memref<8x128x64xf32, #tpu.memory_space<vmem>>, vector<1x128x64xf32>
      %get3A_355 = vector.shape_cast %get3A_354 : vector<1x128x64xf32> to vector<128x64xf32>
      %get3A_356 = arith.constant 6 : index
      %get3A_357 = arith.constant 0 : index
      %get3A_358 = arith.constant 0 : index
      %get3A_359 = vector.load %arg5[%get3A_356, %get3A_357, %get3A_358] : memref<8x128x64xf32, #tpu.memory_space<vmem>>, vector<1x128x64xf32>
      %get3A_360 = vector.shape_cast %get3A_359 : vector<1x128x64xf32> to vector<128x64xf32>
      %dot_general3A_361 = arith.constant dense<0.000000e+00> : vector<128x128xf32>
      %dot_general3A_362 = tpu.matmul %get3A_355, %get3A_360, %dot_general3A_361 {dimension_numbers = #tpu.dot_dimension_numbers<[1], [1], [0], [0], [0, 0, 1, 0], [], []>, transpose_lhs_hint = false} : vector<128x64xf32>, vector<128x64xf32>, vector<128x128xf32> -> vector<128x128xf32>
      %swap3A_363 = arith.constant 0 : index
      %swap3A_364 = arith.constant 768 : index
      %swap3A_365 = vector.load %arg9[%swap3A_363, %swap3A_364] : memref<128x1024xf32, #tpu.memory_space<vmem>>, vector<128x128xf32>
      tpu.vector_store %arg9[%swap3A_363, %swap3A_364], %dot_general3A_362 {strides = array<i32>} : memref<128x1024xf32, #tpu.memory_space<vmem>>, vector<128x128xf32>,
      %get3A_366 = arith.constant 6 : index
      %get3A_367 = arith.constant 0 : index
      %get3A_368 = vector.load %arg7[%get3A_366, %get3A_367] : memref<8x64xf32, #tpu.memory_space<vmem>>, vector<1x64xf32>
      %mul3A_369 = vector.broadcast %get3A_368 : vector<1x64xf32> to vector<128x64xf32>
      %mul3A_370 = arith.mulf %get3A_360, %mul3A_369 : vector<128x64xf32>
      %reduce_sum3A_371 = arith.constant dense<0.000000e+00> : vector<128xf32>
      %reduce_sum3A_372 = vector.multi_reduction <add>, %mul3A_370, %reduce_sum3A_371 [1] : vector<128x64xf32> to vector<128xf32>
      %reshape3A_373 = vector.shape_cast %reduce_sum3A_372 : vector<128xf32> to vector<1x128xf32>
      %swap3A_374 = arith.constant 6 : index
      %swap3A_375 = arith.constant 0 : index
      %swap3A_376 = vector.load %arg10[%swap3A_374, %swap3A_375] : memref<8x128xf32, #tpu.memory_space<vmem>>, vector<1x128xf32>
      tpu.vector_store %arg10[%swap3A_374, %swap3A_375], %reshape3A_373 {strides = array<i32>} : memref<8x128xf32, #tpu.memory_space<vmem>>, vector<1x128xf32>,
      %get3A_377 = arith.constant 7 : index
      %get3A_378 = arith.constant 0 : index
      %get3A_379 = arith.constant 0 : index
      %get3A_380 = vector.load %arg6[%get3A_377, %get3A_378, %get3A_379] : memref<8x128x64xf32, #tpu.memory_space<vmem>>, vector<1x128x64xf32>
      %get3A_381 = vector.shape_cast %get3A_380 : vector<1x128x64xf32> to vector<128x64xf32>
      %get3A_382 = arith.constant 7 : index
      %get3A_383 = arith.constant 0 : index
      %get3A_384 = arith.constant 0 : index
      %get3A_385 = vector.load %arg5[%get3A_382, %get3A_383, %get3A_384] : memref<8x128x64xf32, #tpu.memory_space<vmem>>, vector<1x128x64xf32>
      %get3A_386 = vector.shape_cast %get3A_385 : vector<1x128x64xf32> to vector<128x64xf32>
      %dot_general3A_387 = arith.constant dense<0.000000e+00> : vector<128x128xf32>
      %dot_general3A_388 = tpu.matmul %get3A_381, %get3A_386, %dot_general3A_387 {dimension_numbers = #tpu.dot_dimension_numbers<[1], [1], [0], [0], [0, 0, 1, 0], [], []>, transpose_lhs_hint = false} : vector<128x64xf32>, vector<128x64xf32>, vector<128x128xf32> -> vector<128x128xf32>
      %swap3A_389 = arith.constant 0 : index
      %swap3A_390 = arith.constant 896 : index
      %swap3A_391 = vector.load %arg9[%swap3A_389, %swap3A_390] : memref<128x1024xf32, #tpu.memory_space<vmem>>, vector<128x128xf32>
      tpu.vector_store %arg9[%swap3A_389, %swap3A_390], %dot_general3A_388 {strides = array<i32>} : memref<128x1024xf32, #tpu.memory_space<vmem>>, vector<128x128xf32>,
      %get3A_392 = arith.constant 7 : index
      %get3A_393 = arith.constant 0 : index
      %get3A_394 = vector.load %arg7[%get3A_392, %get3A_393] : memref<8x64xf32, #tpu.memory_space<vmem>>, vector<1x64xf32>
      %mul3A_395 = vector.broadcast %get3A_394 : vector<1x64xf32> to vector<128x64xf32>
      %mul3A_396 = arith.mulf %get3A_386, %mul3A_395 : vector<128x64xf32>
      %reduce_sum3A_397 = arith.constant dense<0.000000e+00> : vector<128xf32>
      %reduce_sum3A_398 = vector.multi_reduction <add>, %mul3A_396, %reduce_sum3A_397 [1] : vector<128x64xf32> to vector<128xf32>
      %reshape3A_399 = vector.shape_cast %reduce_sum3A_398 : vector<128xf32> to vector<1x128xf32>
      %swap3A_400 = arith.constant 7 : index
      %swap3A_401 = arith.constant 0 : index
      %swap3A_402 = vector.load %arg10[%swap3A_400, %swap3A_401] : memref<8x128xf32, #tpu.memory_space<vmem>>, vector<1x128xf32>
      tpu.vector_store %arg10[%swap3A_400, %swap3A_401], %reshape3A_399 {strides = array<i32>} : memref<8x128xf32, #tpu.memory_space<vmem>>, vector<1x128xf32>,
    } else {
    }
    %get3A = arith.constant 0 : index
    %get3A_2 = arith.constant 0 : index
    %get3A_3 = vector.load %arg1[%get3A, %get3A_2] : memref<256x64xf32, #tpu.memory_space<vmem>>, vector<256x64xf32>
    %get3A_4 = arith.constant 0 : index
    %get3A_5 = arith.constant 0 : index
    %get3A_6 = vector.load %arg2[%get3A_4, %get3A_5] : memref<256x64xf32, #tpu.memory_space<vmem>>, vector<256x64xf32>
    %get3A_7 = arith.constant 0 : index
    %get3A_8 = arith.constant 0 : index
    %get3A_9 = vector.load %arg9[%get3A_7, %get3A_8] : memref<128x1024xf32, #tpu.memory_space<vmem>>, vector<64x1024xf32>
    %dot_general3A = arith.constant dense<0.000000e+00> : vector<256x1024xf32>
    %dot_general3A_10 = tpu.matmul %get3A_3, %get3A_9, %dot_general3A {dimension_numbers = #tpu.dot_dimension_numbers<[1], [0], [0], [1], [0, 0, 1, 1], [], []>, transpose_lhs_hint = false} : vector<256x64xf32>, vector<64x1024xf32>, vector<256x1024xf32> -> vector<256x1024xf32>
    %get3A_11 = arith.constant 64 : index
    %get3A_12 = arith.constant 0 : index
    %get3A_13 = vector.load %arg9[%get3A_11, %get3A_12] : memref<128x1024xf32, #tpu.memory_space<vmem>>, vector<64x1024xf32>
    %dot_general3A_14 = arith.constant dense<0.000000e+00> : vector<256x1024xf32>
    %dot_general3A_15 = tpu.matmul %get3A_6, %get3A_13, %dot_general3A_14 {dimension_numbers = #tpu.dot_dimension_numbers<[1], [0], [0], [1], [0, 0, 1, 1], [], []>, transpose_lhs_hint = false} : vector<256x64xf32>, vector<64x1024xf32>, vector<256x1024xf32> -> vector<256x1024xf32>
    %add3A = arith.addf %dot_general3A_10, %dot_general3A_15 : vector<256x1024xf32>
    %slice3A = vector.extract_strided_slice %add3A {offsets = [0, 0], sizes = [256, 128], strides = [1, 1]} : vector<256x1024xf32> to vector<256x128xf32>
    %get3A_16 = arith.constant 0 : index
    %get3A_17 = arith.constant 0 : index
    %get3A_18 = vector.load %arg10[%get3A_16, %get3A_17] : memref<8x128xf32, #tpu.memory_space<vmem>>, vector<1x128xf32>
    %add3A_19 = vector.broadcast %get3A_18 : vector<1x128xf32> to vector<256x128xf32>
    %add3A_20 = arith.addf %slice3A, %add3A_19 : vector<256x128xf32>
    %convert_element_type3A_21 = arith.truncf %add3A_20 : vector<256x128xf32> to vector<256x128xbf16>
    %broadcast_in_dim3A = vector.shape_cast %convert_element_type3A_21 : vector<256x128xbf16> to vector<1x256x128xbf16>
    %slice3A_22 = vector.extract_strided_slice %add3A {offsets = [0, 128], sizes = [256, 128], strides = [1, 1]} : vector<256x1024xf32> to vector<256x128xf32>
    %get3A_23 = arith.constant 1 : index
    %get3A_24 = arith.constant 0 : index
    %get3A_25 = vector.load %arg10[%get3A_23, %get3A_24] : memref<8x128xf32, #tpu.memory_space<vmem>>, vector<1x128xf32>
    %add3A_26 = vector.broadcast %get3A_25 : vector<1x128xf32> to vector<256x128xf32>
    %add3A_27 = arith.addf %slice3A_22, %add3A_26 : vector<256x128xf32>
    %convert_element_type3A_28 = arith.truncf %add3A_27 : vector<256x128xf32> to vector<256x128xbf16>
    %broadcast_in_dim3A_29 = vector.shape_cast %convert_element_type3A_28 : vector<256x128xbf16> to vector<1x256x128xbf16>
    %slice3A_30 = vector.extract_strided_slice %add3A {offsets = [0, 256], sizes = [256, 128], strides = [1, 1]} : vector<256x1024xf32> to vector<256x128xf32>
    %get3A_31 = arith.constant 2 : index
    %get3A_32 = arith.constant 0 : index
    %get3A_33 = vector.load %arg10[%get3A_31, %get3A_32] : memref<8x128xf32, #tpu.memory_space<vmem>>, vector<1x128xf32>
    %add3A_34 = vector.broadcast %get3A_33 : vector<1x128xf32> to vector<256x128xf32>
    %add3A_35 = arith.addf %slice3A_30, %add3A_34 : vector<256x128xf32>
    %convert_element_type3A_36 = arith.truncf %add3A_35 : vector<256x128xf32> to vector<256x128xbf16>
    %broadcast_in_dim3A_37 = vector.shape_cast %convert_element_type3A_36 : vector<256x128xbf16> to vector<1x256x128xbf16>
    %slice3A_38 = vector.extract_strided_slice %add3A {offsets = [0, 384], sizes = [256, 128], strides = [1, 1]} : vector<256x1024xf32> to vector<256x128xf32>
    %get3A_39 = arith.constant 3 : index
    %get3A_40 = arith.constant 0 : index
    %get3A_41 = vector.load %arg10[%get3A_39, %get3A_40] : memref<8x128xf32, #tpu.memory_space<vmem>>, vector<1x128xf32>
    %add3A_42 = vector.broadcast %get3A_41 : vector<1x128xf32> to vector<256x128xf32>
    %add3A_43 = arith.addf %slice3A_38, %add3A_42 : vector<256x128xf32>
    %convert_element_type3A_44 = arith.truncf %add3A_43 : vector<256x128xf32> to vector<256x128xbf16>
    %broadcast_in_dim3A_45 = vector.shape_cast %convert_element_type3A_44 : vector<256x128xbf16> to vector<1x256x128xbf16>
    %slice3A_46 = vector.extract_strided_slice %add3A {offsets = [0, 512], sizes = [256, 128], strides = [1, 1]} : vector<256x1024xf32> to vector<256x128xf32>
    %get3A_47 = arith.constant 4 : index
    %get3A_48 = arith.constant 0 : index
    %get3A_49 = vector.load %arg10[%get3A_47, %get3A_48] : memref<8x128xf32, #tpu.memory_space<vmem>>, vector<1x128xf32>
    %add3A_50 = vector.broadcast %get3A_49 : vector<1x128xf32> to vector<256x128xf32>
    %add3A_51 = arith.addf %slice3A_46, %add3A_50 : vector<256x128xf32>
    %convert_element_type3A_52 = arith.truncf %add3A_51 : vector<256x128xf32> to vector<256x128xbf16>
    %broadcast_in_dim3A_53 = vector.shape_cast %convert_element_type3A_52 : vector<256x128xbf16> to vector<1x256x128xbf16>
    %slice3A_54 = vector.extract_strided_slice %add3A {offsets = [0, 640], sizes = [256, 128], strides = [1, 1]} : vector<256x1024xf32> to vector<256x128xf32>
    %get3A_55 = arith.constant 5 : index
    %get3A_56 = arith.constant 0 : index
    %get3A_57 = vector.load %arg10[%get3A_55, %get3A_56] : memref<8x128xf32, #tpu.memory_space<vmem>>, vector<1x128xf32>
    %add3A_58 = vector.broadcast %get3A_57 : vector<1x128xf32> to vector<256x128xf32>
    %add3A_59 = arith.addf %slice3A_54, %add3A_58 : vector<256x128xf32>
    %convert_element_type3A_60 = arith.truncf %add3A_59 : vector<256x128xf32> to vector<256x128xbf16>
    %broadcast_in_dim3A_61 = vector.shape_cast %convert_element_type3A_60 : vector<256x128xbf16> to vector<1x256x128xbf16>
    %slice3A_62 = vector.extract_strided_slice %add3A {offsets = [0, 768], sizes = [256, 128], strides = [1, 1]} : vector<256x1024xf32> to vector<256x128xf32>
    %get3A_63 = arith.constant 6 : index
    %get3A_64 = arith.constant 0 : index
    %get3A_65 = vector.load %arg10[%get3A_63, %get3A_64] : memref<8x128xf32, #tpu.memory_space<vmem>>, vector<1x128xf32>
    %add3A_66 = vector.broadcast %get3A_65 : vector<1x128xf32> to vector<256x128xf32>
    %add3A_67 = arith.addf %slice3A_62, %add3A_66 : vector<256x128xf32>
    %convert_element_type3A_68 = arith.truncf %add3A_67 : vector<256x128xf32> to vector<256x128xbf16>
    %broadcast_in_dim3A_69 = vector.shape_cast %convert_element_type3A_68 : vector<256x128xbf16> to vector<1x256x128xbf16>
    %slice3A_70 = vector.extract_strided_slice %add3A {offsets = [0, 896], sizes = [256, 128], strides = [1, 1]} : vector<256x1024xf32> to vector<256x128xf32>
    %get3A_71 = arith.constant 7 : index
    %get3A_72 = arith.constant 0 : index
    %get3A_73 = vector.load %arg10[%get3A_71, %get3A_72] : memref<8x128xf32, #tpu.memory_space<vmem>>, vector<1x128xf32>
    %add3A_74 = vector.broadcast %get3A_73 : vector<1x128xf32> to vector<256x128xf32>
    %add3A_75 = arith.addf %slice3A_70, %add3A_74 : vector<256x128xf32>
    %convert_element_type3A_76 = arith.truncf %add3A_75 : vector<256x128xf32> to vector<256x128xbf16>
    %broadcast_in_dim3A_77 = vector.shape_cast %convert_element_type3A_76 : vector<256x128xbf16> to vector<1x256x128xbf16>
    %concatenate3A = tpu.concatenate %broadcast_in_dim3A, %broadcast_in_dim3A_29, %broadcast_in_dim3A_37, %broadcast_in_dim3A_45, %broadcast_in_dim3A_53, %broadcast_in_dim3A_61, %broadcast_in_dim3A_69, %broadcast_in_dim3A_77 in 0 : vector<1x256x128xbf16>, vector<1x256x128xbf16>, vector<1x256x128xbf16>, vector<1x256x128xbf16>, vector<1x256x128xbf16>, vector<1x256x128xbf16>, vector<1x256x128xbf16>, vector<1x256x128xbf16> -> vector<8x256x128xbf16>
    %slice3A_78 = vector.extract_strided_slice %concatenate3A {offsets = [0, 0, 0], sizes = [8, 16, 128], strides = [1, 1, 1]} : vector<8x256x128xbf16> to vector<8x16x128xbf16>
    %reshape3A = vector.shape_cast %slice3A_78 : vector<8x16x128xbf16> to vector<128x128xbf16>
    %get3A_79 = arith.constant 0 : index
    %get3A_80 = arith.constant 0 : index
    %get3A_81 = vector.load %arg4[%get3A_79, %get3A_80] : memref<5120x128xbf16, #tpu.memory_space<vmem>>, vector<320x128xbf16>
    %dot_general3A_82 = arith.constant dense<0.000000e+00> : vector<320x128xf32>
    %dot_general3A_83 = tpu.matmul %get3A_81, %reshape3A, %dot_general3A_82 {dimension_numbers = #tpu.dot_dimension_numbers<[1], [0], [0], [1], [0, 0, 1, 1], [], []>, transpose_lhs_hint = false} : vector<320x128xbf16>, vector<128x128xbf16>, vector<320x128xf32> -> vector<320x128xf32>
    %slice3A_84 = vector.extract_strided_slice %concatenate3A {offsets = [0, 16, 0], sizes = [8, 16, 128], strides = [1, 1, 1]} : vector<8x256x128xbf16> to vector<8x16x128xbf16>
    %reshape3A_85 = vector.shape_cast %slice3A_84 : vector<8x16x128xbf16> to vector<128x128xbf16>
    %get3A_86 = arith.constant 320 : index
    %get3A_87 = arith.constant 0 : index
    %get3A_88 = vector.load %arg4[%get3A_86, %get3A_87] : memref<5120x128xbf16, #tpu.memory_space<vmem>>, vector<320x128xbf16>
    %dot_general3A_89 = arith.constant dense<0.000000e+00> : vector<320x128xf32>
    %dot_general3A_90 = tpu.matmul %get3A_88, %reshape3A_85, %dot_general3A_89 {dimension_numbers = #tpu.dot_dimension_numbers<[1], [0], [0], [1], [0, 0, 1, 1], [], []>, transpose_lhs_hint = false} : vector<320x128xbf16>, vector<128x128xbf16>, vector<320x128xf32> -> vector<320x128xf32>
    %slice3A_91 = vector.extract_strided_slice %concatenate3A {offsets = [0, 32, 0], sizes = [8, 16, 128], strides = [1, 1, 1]} : vector<8x256x128xbf16> to vector<8x16x128xbf16>
    %reshape3A_92 = vector.shape_cast %slice3A_91 : vector<8x16x128xbf16> to vector<128x128xbf16>
    %get3A_93 = arith.constant 640 : index
    %get3A_94 = arith.constant 0 : index
    %get3A_95 = vector.load %arg4[%get3A_93, %get3A_94] : memref<5120x128xbf16, #tpu.memory_space<vmem>>, vector<320x128xbf16>
    %dot_general3A_96 = arith.constant dense<0.000000e+00> : vector<320x128xf32>
    %dot_general3A_97 = tpu.matmul %get3A_95, %reshape3A_92, %dot_general3A_96 {dimension_numbers = #tpu.dot_dimension_numbers<[1], [0], [0], [1], [0, 0, 1, 1], [], []>, transpose_lhs_hint = false} : vector<320x128xbf16>, vector<128x128xbf16>, vector<320x128xf32> -> vector<320x128xf32>
    %slice3A_98 = vector.extract_strided_slice %concatenate3A {offsets = [0, 48, 0], sizes = [8, 16, 128], strides = [1, 1, 1]} : vector<8x256x128xbf16> to vector<8x16x128xbf16>
    %reshape3A_99 = vector.shape_cast %slice3A_98 : vector<8x16x128xbf16> to vector<128x128xbf16>
    %get3A_100 = arith.constant 960 : index
    %get3A_101 = arith.constant 0 : index
    %get3A_102 = vector.load %arg4[%get3A_100, %get3A_101] : memref<5120x128xbf16, #tpu.memory_space<vmem>>, vector<320x128xbf16>
    %dot_general3A_103 = arith.constant dense<0.000000e+00> : vector<320x128xf32>
    %dot_general3A_104 = tpu.matmul %get3A_102, %reshape3A_99, %dot_general3A_103 {dimension_numbers = #tpu.dot_dimension_numbers<[1], [0], [0], [1], [0, 0, 1, 1], [], []>, transpose_lhs_hint = false} : vector<320x128xbf16>, vector<128x128xbf16>, vector<320x128xf32> -> vector<320x128xf32>
    %slice3A_105 = vector.extract_strided_slice %concatenate3A {offsets = [0, 64, 0], sizes = [8, 16, 128], strides = [1, 1, 1]} : vector<8x256x128xbf16> to vector<8x16x128xbf16>
    %reshape3A_106 = vector.shape_cast %slice3A_105 : vector<8x16x128xbf16> to vector<128x128xbf16>
    %get3A_107 = arith.constant 1280 : index
    %get3A_108 = arith.constant 0 : index
    %get3A_109 = vector.load %arg4[%get3A_107, %get3A_108] : memref<5120x128xbf16, #tpu.memory_space<vmem>>, vector<320x128xbf16>
    %dot_general3A_110 = arith.constant dense<0.000000e+00> : vector<320x128xf32>
    %dot_general3A_111 = tpu.matmul %get3A_109, %reshape3A_106, %dot_general3A_110 {dimension_numbers = #tpu.dot_dimension_numbers<[1], [0], [0], [1], [0, 0, 1, 1], [], []>, transpose_lhs_hint = false} : vector<320x128xbf16>, vector<128x128xbf16>, vector<320x128xf32> -> vector<320x128xf32>
    %slice3A_112 = vector.extract_strided_slice %concatenate3A {offsets = [0, 80, 0], sizes = [8, 16, 128], strides = [1, 1, 1]} : vector<8x256x128xbf16> to vector<8x16x128xbf16>
    %reshape3A_113 = vector.shape_cast %slice3A_112 : vector<8x16x128xbf16> to vector<128x128xbf16>
    %get3A_114 = arith.constant 1600 : index
    %get3A_115 = arith.constant 0 : index
    %get3A_116 = vector.load %arg4[%get3A_114, %get3A_115] : memref<5120x128xbf16, #tpu.memory_space<vmem>>, vector<320x128xbf16>
    %dot_general3A_117 = arith.constant dense<0.000000e+00> : vector<320x128xf32>
    %dot_general3A_118 = tpu.matmul %get3A_116, %reshape3A_113, %dot_general3A_117 {dimension_numbers = #tpu.dot_dimension_numbers<[1], [0], [0], [1], [0, 0, 1, 1], [], []>, transpose_lhs_hint = false} : vector<320x128xbf16>, vector<128x128xbf16>, vector<320x128xf32> -> vector<320x128xf32>
    %slice3A_119 = vector.extract_strided_slice %concatenate3A {offsets = [0, 96, 0], sizes = [8, 16, 128], strides = [1, 1, 1]} : vector<8x256x128xbf16> to vector<8x16x128xbf16>
    %reshape3A_120 = vector.shape_cast %slice3A_119 : vector<8x16x128xbf16> to vector<128x128xbf16>
    %get3A_121 = arith.constant 1920 : index
    %get3A_122 = arith.constant 0 : index
    %get3A_123 = vector.load %arg4[%get3A_121, %get3A_122] : memref<5120x128xbf16, #tpu.memory_space<vmem>>, vector<320x128xbf16>
    %dot_general3A_124 = arith.constant dense<0.000000e+00> : vector<320x128xf32>
    %dot_general3A_125 = tpu.matmul %get3A_123, %reshape3A_120, %dot_general3A_124 {dimension_numbers = #tpu.dot_dimension_numbers<[1], [0], [0], [1], [0, 0, 1, 1], [], []>, transpose_lhs_hint = false} : vector<320x128xbf16>, vector<128x128xbf16>, vector<320x128xf32> -> vector<320x128xf32>
    %slice3A_126 = vector.extract_strided_slice %concatenate3A {offsets = [0, 112, 0], sizes = [8, 16, 128], strides = [1, 1, 1]} : vector<8x256x128xbf16> to vector<8x16x128xbf16>
    %reshape3A_127 = vector.shape_cast %slice3A_126 : vector<8x16x128xbf16> to vector<128x128xbf16>
    %get3A_128 = arith.constant 2240 : index
    %get3A_129 = arith.constant 0 : index
    %get3A_130 = vector.load %arg4[%get3A_128, %get3A_129] : memref<5120x128xbf16, #tpu.memory_space<vmem>>, vector<320x128xbf16>
    %dot_general3A_131 = arith.constant dense<0.000000e+00> : vector<320x128xf32>
    %dot_general3A_132 = tpu.matmul %get3A_130, %reshape3A_127, %dot_general3A_131 {dimension_numbers = #tpu.dot_dimension_numbers<[1], [0], [0], [1], [0, 0, 1, 1], [], []>, transpose_lhs_hint = false} : vector<320x128xbf16>, vector<128x128xbf16>, vector<320x128xf32> -> vector<320x128xf32>
    %slice3A_133 = vector.extract_strided_slice %concatenate3A {offsets = [0, 128, 0], sizes = [8, 16, 128], strides = [1, 1, 1]} : vector<8x256x128xbf16> to vector<8x16x128xbf16>
    %reshape3A_134 = vector.shape_cast %slice3A_133 : vector<8x16x128xbf16> to vector<128x128xbf16>
    %get3A_135 = arith.constant 2560 : index
    %get3A_136 = arith.constant 0 : index
    %get3A_137 = vector.load %arg4[%get3A_135, %get3A_136] : memref<5120x128xbf16, #tpu.memory_space<vmem>>, vector<320x128xbf16>
    %dot_general3A_138 = arith.constant dense<0.000000e+00> : vector<320x128xf32>
    %dot_general3A_139 = tpu.matmul %get3A_137, %reshape3A_134, %dot_general3A_138 {dimension_numbers = #tpu.dot_dimension_numbers<[1], [0], [0], [1], [0, 0, 1, 1], [], []>, transpose_lhs_hint = false} : vector<320x128xbf16>, vector<128x128xbf16>, vector<320x128xf32> -> vector<320x128xf32>
    %slice3A_140 = vector.extract_strided_slice %concatenate3A {offsets = [0, 144, 0], sizes = [8, 16, 128], strides = [1, 1, 1]} : vector<8x256x128xbf16> to vector<8x16x128xbf16>
    %reshape3A_141 = vector.shape_cast %slice3A_140 : vector<8x16x128xbf16> to vector<128x128xbf16>
    %get3A_142 = arith.constant 2880 : index
    %get3A_143 = arith.constant 0 : index
    %get3A_144 = vector.load %arg4[%get3A_142, %get3A_143] : memref<5120x128xbf16, #tpu.memory_space<vmem>>, vector<320x128xbf16>
    %dot_general3A_145 = arith.constant dense<0.000000e+00> : vector<320x128xf32>
    %dot_general3A_146 = tpu.matmul %get3A_144, %reshape3A_141, %dot_general3A_145 {dimension_numbers = #tpu.dot_dimension_numbers<[1], [0], [0], [1], [0, 0, 1, 1], [], []>, transpose_lhs_hint = false} : vector<320x128xbf16>, vector<128x128xbf16>, vector<320x128xf32> -> vector<320x128xf32>
    %slice3A_147 = vector.extract_strided_slice %concatenate3A {offsets = [0, 160, 0], sizes = [8, 16, 128], strides = [1, 1, 1]} : vector<8x256x128xbf16> to vector<8x16x128xbf16>
    %reshape3A_148 = vector.shape_cast %slice3A_147 : vector<8x16x128xbf16> to vector<128x128xbf16>
    %get3A_149 = arith.constant 3200 : index
    %get3A_150 = arith.constant 0 : index
    %get3A_151 = vector.load %arg4[%get3A_149, %get3A_150] : memref<5120x128xbf16, #tpu.memory_space<vmem>>, vector<320x128xbf16>
    %dot_general3A_152 = arith.constant dense<0.000000e+00> : vector<320x128xf32>
    %dot_general3A_153 = tpu.matmul %get3A_151, %reshape3A_148, %dot_general3A_152 {dimension_numbers = #tpu.dot_dimension_numbers<[1], [0], [0], [1], [0, 0, 1, 1], [], []>, transpose_lhs_hint = false} : vector<320x128xbf16>, vector<128x128xbf16>, vector<320x128xf32> -> vector<320x128xf32>
    %slice3A_154 = vector.extract_strided_slice %concatenate3A {offsets = [0, 176, 0], sizes = [8, 16, 128], strides = [1, 1, 1]} : vector<8x256x128xbf16> to vector<8x16x128xbf16>
    %reshape3A_155 = vector.shape_cast %slice3A_154 : vector<8x16x128xbf16> to vector<128x128xbf16>
    %get3A_156 = arith.constant 3520 : index
    %get3A_157 = arith.constant 0 : index
    %get3A_158 = vector.load %arg4[%get3A_156, %get3A_157] : memref<5120x128xbf16, #tpu.memory_space<vmem>>, vector<320x128xbf16>
    %dot_general3A_159 = arith.constant dense<0.000000e+00> : vector<320x128xf32>
    %dot_general3A_160 = tpu.matmul %get3A_158, %reshape3A_155, %dot_general3A_159 {dimension_numbers = #tpu.dot_dimension_numbers<[1], [0], [0], [1], [0, 0, 1, 1], [], []>, transpose_lhs_hint = false} : vector<320x128xbf16>, vector<128x128xbf16>, vector<320x128xf32> -> vector<320x128xf32>
    %slice3A_161 = vector.extract_strided_slice %concatenate3A {offsets = [0, 192, 0], sizes = [8, 16, 128], strides = [1, 1, 1]} : vector<8x256x128xbf16> to vector<8x16x128xbf16>
    %reshape3A_162 = vector.shape_cast %slice3A_161 : vector<8x16x128xbf16> to vector<128x128xbf16>
    %get3A_163 = arith.constant 3840 : index
    %get3A_164 = arith.constant 0 : index
    %get3A_165 = vector.load %arg4[%get3A_163, %get3A_164] : memref<5120x128xbf16, #tpu.memory_space<vmem>>, vector<320x128xbf16>
    %dot_general3A_166 = arith.constant dense<0.000000e+00> : vector<320x128xf32>
    %dot_general3A_167 = tpu.matmul %get3A_165, %reshape3A_162, %dot_general3A_166 {dimension_numbers = #tpu.dot_dimension_numbers<[1], [0], [0], [1], [0, 0, 1, 1], [], []>, transpose_lhs_hint = false} : vector<320x128xbf16>, vector<128x128xbf16>, vector<320x128xf32> -> vector<320x128xf32>
    %slice3A_168 = vector.extract_strided_slice %concatenate3A {offsets = [0, 208, 0], sizes = [8, 16, 128], strides = [1, 1, 1]} : vector<8x256x128xbf16> to vector<8x16x128xbf16>
    %reshape3A_169 = vector.shape_cast %slice3A_168 : vector<8x16x128xbf16> to vector<128x128xbf16>
    %get3A_170 = arith.constant 4160 : index
    %get3A_171 = arith.constant 0 : index
    %get3A_172 = vector.load %arg4[%get3A_170, %get3A_171] : memref<5120x128xbf16, #tpu.memory_space<vmem>>, vector<320x128xbf16>
    %dot_general3A_173 = arith.constant dense<0.000000e+00> : vector<320x128xf32>
    %dot_general3A_174 = tpu.matmul %get3A_172, %reshape3A_169, %dot_general3A_173 {dimension_numbers = #tpu.dot_dimension_numbers<[1], [0], [0], [1], [0, 0, 1, 1], [], []>, transpose_lhs_hint = false} : vector<320x128xbf16>, vector<128x128xbf16>, vector<320x128xf32> -> vector<320x128xf32>
    %slice3A_175 = vector.extract_strided_slice %concatenate3A {offsets = [0, 224, 0], sizes = [8, 16, 128], strides = [1, 1, 1]} : vector<8x256x128xbf16> to vector<8x16x128xbf16>
    %reshape3A_176 = vector.shape_cast %slice3A_175 : vector<8x16x128xbf16> to vector<128x128xbf16>
    %get3A_177 = arith.constant 4480 : index
    %get3A_178 = arith.constant 0 : index
    %get3A_179 = vector.load %arg4[%get3A_177, %get3A_178] : memref<5120x128xbf16, #tpu.memory_space<vmem>>, vector<320x128xbf16>
    %dot_general3A_180 = arith.constant dense<0.000000e+00> : vector<320x128xf32>
    %dot_general3A_181 = tpu.matmul %get3A_179, %reshape3A_176, %dot_general3A_180 {dimension_numbers = #tpu.dot_dimension_numbers<[1], [0], [0], [1], [0, 0, 1, 1], [], []>, transpose_lhs_hint = false} : vector<320x128xbf16>, vector<128x128xbf16>, vector<320x128xf32> -> vector<320x128xf32>
    %slice3A_182 = vector.extract_strided_slice %concatenate3A {offsets = [0, 240, 0], sizes = [8, 16, 128], strides = [1, 1, 1]} : vector<8x256x128xbf16> to vector<8x16x128xbf16>
    %reshape3A_183 = vector.shape_cast %slice3A_182 : vector<8x16x128xbf16> to vector<128x128xbf16>
    %get3A_184 = arith.constant 4800 : index
    %get3A_185 = arith.constant 0 : index
    %get3A_186 = vector.load %arg4[%get3A_184, %get3A_185] : memref<5120x128xbf16, #tpu.memory_space<vmem>>, vector<320x128xbf16>
    %dot_general3A_187 = arith.constant dense<0.000000e+00> : vector<320x128xf32>
    %dot_general3A_188 = tpu.matmul %get3A_186, %reshape3A_183, %dot_general3A_187 {dimension_numbers = #tpu.dot_dimension_numbers<[1], [0], [0], [1], [0, 0, 1, 1], [], []>, transpose_lhs_hint = false} : vector<320x128xbf16>, vector<128x128xbf16>, vector<320x128xf32> -> vector<320x128xf32>
    %concatenate3A_189 = tpu.concatenate %dot_general3A_83, %dot_general3A_90, %dot_general3A_97, %dot_general3A_104, %dot_general3A_111, %dot_general3A_118, %dot_general3A_125, %dot_general3A_132, %dot_general3A_139, %dot_general3A_146, %dot_general3A_153, %dot_general3A_160, %dot_general3A_167, %dot_general3A_174, %dot_general3A_181, %dot_general3A_188 in 0 : vector<320x128xf32>, vector<320x128xf32>, vector<320x128xf32>, vector<320x128xf32>, vector<320x128xf32>, vector<320x128xf32>, vector<320x128xf32>, vector<320x128xf32>, vector<320x128xf32>, vector<320x128xf32>, vector<320x128xf32>, vector<320x128xf32>, vector<320x128xf32>, vector<320x128xf32>, vector<320x128xf32>, vector<320x128xf32> -> vector<5120x128xf32>
    %get3A_190 = arith.constant 0 : index
    %get3A_191 = arith.constant 0 : index
    %get3A_192 = vector.load %arg3[%get3A_190, %get3A_191] : memref<5120x128xf32, #tpu.memory_space<vmem>>, vector<5120x128xf32>
    %mul3A = arith.mulf %get3A_192, %concatenate3A_189 : vector<5120x128xf32>
    %reduce_sum3A = arith.constant dense<0.000000e+00> : vector<5120xf32>
    %reduce_sum3A_193 = vector.multi_reduction <add>, %mul3A, %reduce_sum3A [1] : vector<5120x128xf32> to vector<5120xf32>
    %swap3A = arith.constant 0 : index
    %swap3A_194 = vector.load %arg8[%swap3A] : memref<5120xf32, #tpu.memory_space<vmem>>, vector<5120xf32>
    tpu.vector_store %arg8[%swap3A], %reduce_sum3A_193 {strides = array<i32>} : memref<5120xf32, #tpu.memory_space<vmem>>, vector<5120xf32>,
    return
  }
  func.func @transform_0(%arg0: i32) -> (i32, i32) {
    %c0_i32 = arith.constant 0 : i32
    %c0_i32_0 = arith.constant 0 : i32
    return %arg0, %c0_i32 : i32, i32
  }
  func.func @transform_1(%arg0: i32) -> (i32, i32) {
    %c0_i32 = arith.constant 0 : i32
    %c0_i32_0 = arith.constant 0 : i32
    return %arg0, %c0_i32 : i32, i32
  }
  func.func @transform_2(%arg0: i32) -> (i32, i32) {
    %c0_i32 = arith.constant 0 : i32
    %c0_i32_0 = arith.constant 0 : i32
    return %arg0, %c0_i32 : i32, i32
  }
  func.func @transform_3(%arg0: i32) -> (i32, i32) {
    %c0_i32 = arith.constant 0 : i32
    %c0_i32_0 = arith.constant 0 : i32
    return %arg0, %c0_i32 : i32, i32
  }
  func.func @transform_4(%arg0: i32) -> (i32, i32, i32) {
    %c0_i32 = arith.constant 0 : i32
    %c0_i32_0 = arith.constant 0 : i32
    %c0_i32_1 = arith.constant 0 : i32
    %c0_i32_2 = arith.constant 0 : i32
    return %c0_i32, %c0_i32_0, %c0_i32_1 : i32, i32, i32
  }
  func.func @transform_5(%arg0: i32) -> (i32, i32, i32) {
    %c0_i32 = arith.constant 0 : i32
    %c0_i32_0 = arith.constant 0 : i32
    %c0_i32_1 = arith.constant 0 : i32
    %c0_i32_2 = arith.constant 0 : i32
    return %c0_i32, %c0_i32_0, %c0_i32_1 : i32, i32, i32
  }
  func.func @transform_6(%arg0: i32) -> (i32, i32) {
    %c0_i32 = arith.constant 0 : i32
    %c0_i32_0 = arith.constant 0 : i32
    %c0_i32_1 = arith.constant 0 : i32
    return %c0_i32, %c0_i32_0 : i32, i32
  }
  func.func @transform_7(%arg0: i32) -> i32 {
    %c0_i32 = arith.constant 0 : i32
    return %arg0 : i32
  }
}

</mosaic_0001>

<sc_bundles>
// kernel: sparse-core-data-format-call.cloned.1.call-start
scs
called_computation_lowered:
.L_overlay_start_0:
0x0: {  	s1 =	sld [smem:$0x3FD9]  }
0x1: {  	s2 =	sld [smem:$0x3FFE];
	_ =	sdelay $0x1  }
0x2: {  	s3 =	srdreg.scid  }
0x3: {  	s0 =	sand.u32 $0x1, s3  }
0x4: {  	s17 =	sshll.u32 s0, $0xA;
	s1 =	sadd.s32 s2, s1  }
0x5: {  	s1 =	sadd.s32 s1, s17  }
0x6: {  	[smem:$0x3FC0] =	sst s1  }
0x7: {  	_ = 	snop  }
0x8: {  	(tm) =	ssettm $0x1  }
0x9: {  	s18 =	sld [smem:$0x3FFB];
	_ =	sdelay $0x3  }
0xa: {  	_ =	strace s18  }
0xb: {  	s1 =	sld [smem:$0x3FFC];
	_ =	sdelay $0x3  }
0xc: {  	_ =	strace s1  }
0xd: {  	s1 =	sld [smem:$0x3FFD];
	_ =	sdelay $0x3  }
0xe: {  	_ =	strace s1  }
0xf: {  	_ =	strace $0x8FFFFFFF  }
0x10: {  	s19 =	sld [smem:$0x3FDB];
	_ =	sdelay $0x1  }
0x11: {  	s20 =	simm.s32 $_scs_section_size  }
0x12: {  	s4 =	simm.s32 $_size__tile_overlayer_lowered;
	s5 =	simm.s32 $_tile_overlayer_lowered  }
0x13: {  	s23 =	simm.s32 $0x1BFF;
	s22 =	sshll.u32 s5, $0x1;
	s1 =	sadd.s32 s20, s19  }
0x14: {  	s6 =	simm.s32 $0x0;
	s21 =	sshll.u32 s4, $0x1;
	s4 =	sadd.s32 s22, s1  }
0x15: {  	[timem:s6], [sflag:s23] =	dma.local [hbm:s4], s21  }
0x16: {  	_ =	swait.ge [sflag:s23], s21  }
0x17: {  	s2 =	ssub.s32 $0x0, s21;
	[sflag:s23] =	ssyncset.done $0x0  }
0x18: {  	[sflag:s23] =	ssyncadd.s32 s2;
	_ =	sdelay $0x1  }
0x19: {  	s24 =	simm.s32 $0x1B8B  }
0x1a: {  	_ =	swait.ge [sflag:s24], $0x1  }
0x1b: {  	[sflag:s24] =	ssyncset.done $0x0  }
0x1c: {  	s26 =	simm.s32 $0x1B8E;
	s25 =	sld [smem:$0x3FFE];
	[sflag:s24] =	ssyncadd.s32 $0xFFFFFFFF  }
0x1d: {  	s27 =	simm.s32 $execute0_lowered;
	[smem:$0x3FD2] =	sst s26  }
0x1e: {  	s4 =	sshll.u32 s27, $0x1;
	_ =	strace $0x80000046;
	[dreg:$0x1] =	wrdreg $0xFFFFFFFF  }
0x1f: {  	s28 =	simm.s32 $_size_execute0_lowered;
	s1 =	sadd.s32 s1, s4;
	[dreg:$0x0] =	wrdreg $0x0  }
0x20: {  	s4 =	sshll.u32 s28, $0x1;
	[dreg:$0x2] =	wrdreg s1  }
0x21: {  	[dreg:$0x3] =	wrdreg s4  }
0x22: {  	[dreg:$0x4] =	wrdreg $0xC0  }
0x23: {  	_ =	task [dreg:s6], $0x5FFFF  }
0x24: {  	[dreg:$0x1] =	wrdreg $0xFFFFFFFF  }
0x25: {  	[dreg:$0x0] =	wrdreg $0x60  }
0x26: {  	[dreg:$0x2] =	wrdreg s25  }
0x27: {  	[dreg:$0x3] =	wrdreg $0x9  }
0x28: {  	_ =	task.clear_ibuf [dreg:s6], $0x4FFFF;
	_ =	strace $0x90000046  }
0x29: {  	s29 =	simm.s32 $0x9;
	_ =	strace $0x80000048  }
0x2a: {  	_ =	swait.ge [sflag:s29], $0x1  }
0x2b: {  	[sflag:s29] =	ssyncadd.s32 $0xFFFFFFFF  }
0x2c: {  	_ =	strace $0x90000048  }
0x2d: {  	_ =	sfence  }
0x2e: {  	s30 =	sld [smem:$0x0];
	_ =	sdelay $0x2  }
0x2f: {  	s31 =	sshll.u32 s3, $0xD;
	s3 =	sshrl.u32 s3, $0x2  }
0x30: {  	s2 =	sand.u32 $0x4000, s31;
	s1 =	sadd.s32 s3, s30  }
0x31: {  	s0 =	sor.u32 s2, s0;
	s1 =	sshll.u32 s1, $0x11  }
0x32: {  	s0 =	sor.u32 s1, s0  }
0x33: {  	s0 =	sadd.s32 $0x8F2B, s0  }
0x34: {  	[sflag:s0] =	ssyncadd.remote.s32 $0x1  }
0x35: {  	_ =	sfence.sel $0xFFFF  }
0x36: {  	[dreg:$0x0] =	wrdreg $0xFFFFFFFF;
	(pc) =	sbr.abs _section_cstart, $3  }
0x37: {  	[dreg:$0x1] =	wrdreg $0xFFFFFFFF  }
0x38: {  	_ =	task.clear_ibuf [dreg:s6], $0x2FFFF;
	_ =	strace $0x9FFFFFFF  }
0x39: {  	(tm) =	ssettm $0x7FFFFFFF  }
tec
execute0_lowered:
.L_overlay_start_1:
0x0: {  	(tag) =	ssettag $0x1  }
0x1: {  	s0 =	srdreg.scid  }
0x2: {  	s1 =	sshll.u32 s0, $0x4  }
0x3: {  	s0 =	stileid.u32;
	s1 =	sand.u32 $0x10, s1  }
0x4: {  	s6 =	rddreg [dreg:$0x0];
	s4 =	simm.s32 $0x1;
	s1 =	sor.u32 s0, s1  }
0x5: {  	s7 =	simm.s32 $0x2;
	s14 =	simm.s32 $0x0;
	s2 =	sshll.u32 s1, $0x7  }
0x6: {  	s8 =	simm.s32 $0xC00;
	s13 =	simm.s32 $0x0;
	s3 =	ssub.s32 $0x4000, s2  }
0x7: {  	s15 =	simm.s32 $0x0;
	s10 =	simm.s32 $0x0;
	s31 =	sand.u32 $0xF80, s3  }
0x8: {  	s11 =	simm.s32 $0x0;
	s1 =	rddreg [dreg:$0x1];
	p0 =	sne.s32 s31, $0x0  }
.Ltmp0:
0x9: {  	s5 =	sshrl.u32 s3, $0xC;
	s4 =	simm.s32 @!p0 $0x0;
	(pc) =	sbr.rel .LBB1_1-.Ltmp0, $4  }
0xa: {  	_ =	strace $0x80000047;
	s3 =	simm.s32 $0x1;
	s4 =	sadd.s32 s4, s5  }
0xb: {  	s12 =	simm.s32 $0x0;
	[sflag:s3] =	ssyncpa.u1 $0x0;
	s4 =	smul.u32 $0x14, s4  }
0xc: {  	s9 =	smov.u32 s2;
	[sflag:s7] =	ssyncpa.u1 $0x0;
	p0 =	por $0x0, $0x0  }
0xd: {  	s5 =	sadd.s32 $0x1000, s6;
	s6 =	sadd.s32 $0x501000, s6;
	s7 =	sor.u32 $0x1, s4  }
.LBB1_4:
0xe: {  	s15 =	sshll.u32 s15, $0x7;
	s21 =	sshll.u32 s13, $0x3;
	v5 =	vld [tilespmem:s19+$0xFFFFFFD0];
	[tilespmem:s18+$0x2040 ss:$0x81] =	vst.msk $0xffff, v4  }
0xf: {  	v58 =	vld [tilespmem:s19+$0xFFFFFFE0];
	[tilespmem:s18+$0x2850 ss:$0x81] =	vst.msk $0xffff, v3;
	s22 =	sand.u32 $0xFFFFFC00, s15;
	s21 =	sand.u32 $0xFFFFFC00, s21  }
0x10: {  	s20 =	sshra.s32 s20, $0x2;
	v59 =	vld [tilespmem:s19+$0xFFFFFFF0];
	[tilespmem:s18+$0x3060 ss:$0x81] =	vst.msk $0xffff, v2;
	s15 =	sand.u32 $0x380, s15;
	s21 =	sadd.s32 s22, s21  }
0x11: {  	v60 =	vld [tilespmem:s19+$0x0];
	[tilespmem:s18+$0x0 ss:$0x81] =	vst.msk $0xffff, v0;
	s17 =	sadd.s32 s20, s17;
	s15 =	sor.u32 s15, s21  }
0x12: {  	v61 =	vld [tilespmem:s19+$0x10];
	[tilespmem:s17+$0x3870 ss:$0x81] =	vst.msk $0xffff, v1;
	s15 =	sshrl.u32 s15, $0x7  }
0x13: {  	v62 =	vld [tilespmem:s19+$0x20];
	s29 =	smulhi.u32 $0xAAAAAAB, s15;
	[tilespmem:s17+$0x810 ss:$0x81] =	vst.msk $0xffff, v5  }
0x14: {  	v63 =	vld [tilespmem:s19+$0xFFFFFFC0];
	s14 =	smul.u32 $0x180, s14;
	[tilespmem:s17+$0x1020 ss:$0x81] =	vst.msk $0xffff, v58  }
0x15: {  	[tilespmem:s17+$0x1830 ss:$0x81] =	vst.msk $0xffff, v59;
	s18 =	smul.u32 $0x18, s29  }
0x16: {  	s30 =	sshrl.u32 s13, $0x3;
	s31 =	sand.u32 $0x7, s13;
	[tilespmem:s17+$0x2040 ss:$0x81] =	vst.msk $0xffff, v60  }
0x17: {  	s14 =	sadd.s32 s6, s14;
	[tilespmem:s17+$0x2850 ss:$0x81] =	vst.msk $0xffff, v61;
	s15 =	ssub.s32 s15, s18;
	s18 =	sand.u32 $0xF, s30  }
0x18: {  	s13 =	sshll.u32 s31, $0x12;
	[tilespmem:s17+$0x3060 ss:$0x81] =	vst.msk $0xffff, v62;
	s15 =	sshll.u32 s15, $0x4;
	s14 =	sadd.s32 s18, s14  }
0x19: {  	s13 =	sor.u32 $0x80, s13;
	[tilespmem:s17+$0x0 ss:$0x81] =	vst.msk $0xffff, v63;
	s14 =	sadd.s32 s15, s14  }
0x1a: {  	[hbm4b:s14+s13] =	stream.strided.scatter [tilespmem:s16], [sflag:$0x2], $0x4000, s8, s13, $0x20;
	[tilespmem:$0x10100] =	vst v63  }
.LBB1_5:
0x1b: {  	s16 =	sadd.s32 $0x1000, s9  }
0x1c: {  	s13 =	sadd.s32 $0x80, s10;
	s17 =	smov.u32 s10;
	p2 =	sgt.s32 s16, $0x3FFF  }
0x1d: {  	s17 =	smov.u32 @p2 s13  }
0x1e: {  	s13 =	simm.s32 $0x1;
	p3 =	sgt.s32 s17, $0x7F  }
0x1f: {  	s13 =	simm.s32 @!p3 $0x0  }
0x20: {  	s19 =	sadd.s32 s13, s11  }
0x21: {  	s16 =	smov.u32 @p2 s2;
	p2 =	sgt.s32 s19, $0x13  }
0x22: {  	p1 =	slt.u32 s12, $0x2;
	s19 =	simm.s32 @p2 $0x0;
	p2 =	sne.s32 s12, s7  }
.Ltmp1:
0x23: {  	s18 =	simm.s32 @!p1 $0x2;
	(pc) =	sbr.rel @!p2 .LBB1_6-.Ltmp1, $4  }
0x24: {  	s14 =	smov.u32 s9;
	s15 =	smov.u32 s11;
	_ =	swait.ge @!p1 [sflag:s18], $0x4000  }
0x25: {  	p0 =	por !p0, !p0;
	[sflag:s18] =	ssyncset.done @!p1 $0x0;
	s9 =	smov.u32 s16  }
0x26: {  	s17 =	simm.s32 @p3 $0x0;
	[sflag:s18] =	ssyncadd.s32 @!p1 $0xFFFFC000;
	s13 =	smov.u32 s10  }
0x27: {  	s10 =	smov.u32 s17;
	s12 =	sadd.s32 $0x1, s12;
	s11 =	smov.u32 s19  }
.LBB1_1:
0x28: {  	p1 =	sge.u32 s12, s4;
	s31 =	sadd.s32 $0xFFFFFFFF, s12  }
0x29: {  	s16 =	sxor.u32 @!p1 $0xFFFFFFFF, s12;
	s17 =	sand.u32 @!p1 $0x78, s9;
	s18 =	sshll.u32 @!p1 s10, $0xE  }
0x2a: {  	s19 =	sshll.u32 @!p1 s10, $0x7;
	s20 =	sshll.u32 @!p1 s9, $0x3;
	s16 =	sshll.u32 @!p1 s16, $0xE  }
0x2b: {  	s18 =	sand.u32 @!p1 $0x1E0000, s18;
	s19 =	sand.u32 @!p1 $0x380, s19;
	s16 =	sand.u32 @!p1 $0x4000, s16  }
0x2c: {  	s18 =	sadd.s32 @!p1 s18, s20;
	s20 =	sand.u32 @!p1 $0x3C00, s20;
	s17 =	sor.u32 @!p1 s19, s17  }
0x2d: {  	s19 =	sshll.u32 @!p1 s11, $0x12;
	s17 =	sor.u32 @!p1 s20, s17;
	s18 =	sshrl.u32 @!p1 s18, $0x3  }
0x2e: {  	s19 =	sadd.s32 @!p1 s5, s19;
	s20 =	sand.u32 @!p1 $0x7, s9;
	s18 =	sand.u32 @!p1 $0x3F800, s18  }
0x2f: {  	s17 =	sshrl.u32 @!p1 s17, $0x3;
	s18 =	sadd.s32 @!p1 s18, s19;
	s19 =	sshll.u32 @!p1 s20, $0x12  }
0x30: {  	s17 =	sadd.s32 @!p1 s17, s18;
	s18 =	sor.u32 @!p1 $0x400, s19;
	s19 =	simm.s32 @!p1 $0x20000  }
0x31: {  	[tilespmem:s16], [sflag:$0x1] =	stream.strided.gather @!p1 [hbm4b:s17+s18], $0x4000, s19, s18, $0x38;
	[tilespmem:$0x10100] =	vst v63  }
0x32: {  	p1 =	sge.u32 s31, s4  }
.Ltmp2:
0x33: {  	_ = 	snop;
	(pc) =	sbr.rel @p1 .LBB1_5-.Ltmp2, $1  }
0x34: {  	_ =	sdelay $0x3  }
0x35: {  	s16 =	simm.s32 $0x1  }
0x36: {  	_ =	swait.ge [sflag:s3], $0x4000;
	s16 =	simm.s32 @!p0 $0x0  }
0x37: {  	[sflag:s3] =	ssyncset.done $0x0;
	s17 =	sshll.u32 s16, $0xE  }
0x38: {  	[sflag:s3] =	ssyncadd.s32 $0xFFFFC000;
	s19 =	sor.u32 $0x40, s17  }
0x39: {  	s16 =	smul.u32 $0x10200, s16;
	v0 =	vld [tilespmem:s19+$0x30]  }
0x3a: {  	v1 =	vld [tilespmem:s19+$0xFFFFFFD0]  }
0x3b: {  	s16 =	sshrl.u32 s16, $0x2;
	v5 =	vld [tilespmem:s19+$0xFFFFFFE0]  }
0x3c: {  	v6 =	vld [tilespmem:s19+$0xFFFFFFF0];
	s17 =	sor.u32 $0x8000, s16  }
0x3d: {  	s31 =	sand.u32 $0x1, s12;
	v4 =	vld [tilespmem:s19+$0x0];
	s18 =	sadd.s32 $0x0, s17  }
0x3e: {  	v3 =	vld [tilespmem:s19+$0x10];
	s16 =	smul.u32 $0x10200, s31;
	[tilespmem:s18+$0x3870 ss:$0x81] =	vst.msk $0xffff, v0  }
0x3f: {  	v2 =	vld [tilespmem:s19+$0x20];
	[tilespmem:s18+$0x810 ss:$0x81] =	vst.msk $0xffff, v1  }
0x40: {  	s16 =	sshrl.u32 s16, $0x2;
	v0 =	vld [tilespmem:s19+$0xFFFFFFC0];
	[tilespmem:s18+$0x1020 ss:$0x81] =	vst.msk $0xffff, v5;
	s19 =	sadd.s32 $0x80, s19  }
0x41: {  	s20 =	simm.s32 $0x4;
	s21 =	simm.s32 $0x8;
	s16 =	sor.u32 $0x8000, s16;
	[tilespmem:s18+$0x1830 ss:$0x81] =	vst.msk $0xffff, v6;
	v1 =	vld [tilespmem:s19+$0x30]  }
.LBB1_3:
0x42: {  	p1 =	sne.s32 s21, $0x1FC;
	v5 =	vld [tilespmem:s19+$0xFFFFFFD0];
	[tilespmem:s18+$0x2040 ss:$0x81] =	vst.msk $0xffff, v4  }
0x43: {  	v6 =	vld [tilespmem:s19+$0xFFFFFFE0];
	[tilespmem:s18+$0x2850 ss:$0x81] =	vst.msk $0xffff, v3  }
0x44: {  	s22 =	sshra.s32 s20, $0x2;
	s20 =	smov.u32 s21;
	v7 =	vld [tilespmem:s19+$0xFFFFFFF0];
	[tilespmem:s18+$0x3060 ss:$0x81] =	vst.msk $0xffff, v2  }
.Ltmp3:
0x45: {  	v4 =	vld [tilespmem:s19+$0x0];
	[tilespmem:s18+$0x0 ss:$0x81] =	vst.msk $0xffff, v0;
	s18 =	sadd.s32 s22, s17;
	(pc) =	sbr.rel @p1 .LBB1_3-.Ltmp3, $4  }
0x46: {  	v3 =	vld [tilespmem:s19+$0x10];
	[tilespmem:s18+$0x3870 ss:$0x81] =	vst.msk $0xffff, v1  }
0x47: {  	[tilespmem:s18+$0x810 ss:$0x81] =	vst.msk $0xffff, v5;
	v2 =	vld [tilespmem:s19+$0x20]  }
0x48: {  	v0 =	vld [tilespmem:s19+$0xFFFFFFC0];
	[tilespmem:s18+$0x1020 ss:$0x81] =	vst.msk $0xffff, v6;
	s19 =	sadd.s32 $0x80, s19  }
0x49: {  	s21 =	sadd.s32 $0x4, s21;
	v1 =	vld [tilespmem:s19+$0x30];
	[tilespmem:s18+$0x1830 ss:$0x81] =	vst.msk $0xffff, v7  }
.Ltmp4:
0x4a: {  	_ = 	snop;
	(pc) =	sbr.rel .LBB1_4-.Ltmp4, $1  }
0x4b: {  	_ =	sdelay $0x3  }
.LBB1_6:
0x4c: {  	_ =	sfence.sel $0x180000  }
0x4d: {  	s2 =	simm.s32 $0x1;
	[bflag:$0x0] =	sbarrier.arrive $0xFFFF  }
0x4e: {  	s31 =	simm.s32 $0x2;
	[sflag:s2] =	ssyncpa.u1 $0x1  }
0x4f: {  	[sflag:s31] =	ssyncpa.u1 $0x1  }
0x50: {  	p0 =	sne.s32 s0, $0x0;
	_ =	strace $0x90000047  }
0x51: {  	s0 =	sadd.s32 @!p0 $0x100000, s1;
	[bflag:$0x2] =	sbarrier.arrive $0xFFFF  }
0x52: {  	[sflag:s0] =	ssyncadd.tile.s32 @!p0 $0x1;
	_ =	shalt  }
.Lfunc_end1:
_tile_overlayer_lowered:
.L_overlay_start_2:
0x53: {  	(tag) =	ssettag $0x2  }
0x54: {  	s0 =	rddreg [dreg:$0x0];
	s2 =	stileid.u32  }
0x55: {  	s1 =	rddreg [dreg:$0x1];
	p0 =	sne.s32 s2, $0x0  }
0x56: {  	s3 =	rddreg [dreg:$0x2];
	[bflag:$0x3] =	sbarrier.arrive $0xFFFF;
	s2 =	simm.s32 @!p0 $0x1C01  }
0x57: {  	[timem:s3], [sflag:s2] =	dma.local @!p0 [hbm:s0], s1  }
0x58: {  	s0 =	simm.s32 @!p0 $0x1  }
0x59: {  	_ =	swait.ge @!p0 [sflag:s0], s1  }
0x5a: {  	s1 =	ssub.s32 @!p0 $0x0, s1;
	[sflag:s0] =	ssyncset.done @!p0 $0x0  }
0x5b: {  	[sflag:s0] =	ssyncadd.s32 @!p0 s1  }
0x5c: {  	[bflag:$0x3] =	sbarrier.arrive $0xFFFF  }
0x5d: {  	_ =	shalt  }

</sc_bundles>
